<compile_context>
chip_gen: v7x
topology: tpu7x:2x2x1
jax: 0.10.2.dev20260603
libtpu: 0.0.44.dev20260713+nightly
codegen_flags: <defaults>
</compile_context>

<pallas_src>
import functools

import jax
import jax.numpy as jnp
from jax import lax
from jax.experimental import pallas as pl
from jax.experimental.pallas import tpu as pltpu
from jax.experimental.pallas import tpu_sc as plsc

_B = 16384
_NC = 2
_NS = 16
_NW = _NC * _NS
_BPW = _B // _NW
_L = 16

_mesh = plsc.VectorSubcoreMesh(core_axis_name="c", subcore_axis_name="s")


@functools.partial(
    pl.kernel,
    mesh=_mesh,
    out_type=jax.ShapeDtypeStruct((_B,), jnp.float32),
    scratch_types=[
        pltpu.VMEM((_BPW,), jnp.int32),
        pltpu.VMEM((_BPW,), jnp.int32),
        pltpu.VMEM((_BPW,), jnp.float32),
        pltpu.VMEM((_L,), jnp.float32),
    ],
)
def _tab_disc(a0_hbm, a1_hbm, logits_hbm, out_hbm, a0_v, a1_v, out_v, tab_v):
    wid = lax.axis_index("s") * _NC + lax.axis_index("c")
    base = wid * _BPW
    pltpu.sync_copy(logits_hbm, tab_v)
    pltpu.sync_copy(a0_hbm.at[pl.ds(base, _BPW)], a0_v)
    pltpu.sync_copy(a1_hbm.at[pl.ds(base, _BPW)], a1_v)
    logits_vec = tab_v[...]
    sig = 1.0 / (1.0 + jnp.exp(-logits_vec))

    def body(i, carry):
        off = i * _L
        a0 = a0_v[pl.ds(off, _L)]
        a1 = a1_v[pl.ds(off, _L)]
        idx = jnp.clip(a0 * 2 + a1, 0, 3)
        out_v[pl.ds(off, _L)] = sig.at[idx].get(mode="promise_in_bounds")
        return carry

    lax.fori_loop(0, _BPW // _L, body, 0)
    pltpu.sync_copy(out_v, out_hbm.at[pl.ds(base, _BPW)])


def kernel(a0, a1, logits):
    logits16 = jnp.zeros((_L,), jnp.float32).at[:4].set(logits.astype(jnp.float32))
    return _tab_disc(a0.astype(jnp.int32), a1.astype(jnp.int32), logits16)

# --- scband reference (transcript-rebuilt; emitter-appended) ---
"""Pipeline reference for scband-tabular-discriminator-34600256537360 (READ-ONLY COPY).

The authoritative reference and input builder live on the scoring server;
editing this copy changes nothing except your own understanding.
"""

import jax, jax.numpy as jnp
import numpy as np

BATCH = 16384

def setup_inputs(seed: int = 0) -> dict:
    key = jax.random.key(seed)
    k0, k1, k2 = jax.random.split(key, 3)
    a0 = jax.random.randint(k0, (BATCH,), 0, 2, dtype=jnp.int64 if jax.config.jax_enable_x64 else jnp.int32)
    a1 = jax.random.randint(k1, (BATCH,), 0, 2, dtype=jnp.int64 if jax.config.jax_enable_x64 else jnp.int32)
    # learned parameter: 4 logits (torch init is zeros; use small randn for a non-degenerate reference)
    logits = jax.random.normal(k2, (4,), dtype=jnp.float32) * 0.1
    return {"a0": a0, "a1": a1, "logits": logits}

def reference(a0, a1, logits):
    # idx = a0 * 2 + a1, clamped to [0, 3]
    idx = jnp.clip(a0.astype(jnp.int32) * 2 + a1.astype(jnp.int32), 0, 3)
    # embedding-style gather from the 4-entry logits table
    gathered = jnp.take(logits, idx, axis=0)
    return jax.nn.sigmoid(gathered)

if __name__ == "__main__":
    import jax
    _d = setup_inputs()
    print(jax.jit(kernel)(*tuple(_d.values())))

</pallas_src>

<mosaic_0001>
#map = affine_map<(d0, d1) -> (0)>
module attributes {stable_mosaic.version = 14 : i64} {
  func.func @_tab_disc(%arg0: i32, %arg1: i32, %arg2: memref<16384xi32, #tpu.memory_space<hbm>>, %arg3: memref<16384xi32, #tpu.memory_space<hbm>>, %arg4: memref<16xf32, #tpu.memory_space<hbm>>, %arg5: memref<16384xf32, #tpu.memory_space<hbm>>, %arg6: memref<512xi32, #tpu.memory_space<vmem>>, %arg7: memref<512xi32, #tpu.memory_space<vmem>>, %arg8: memref<512xf32, #tpu.memory_space<vmem>>, %arg9: memref<16xf32, #tpu.memory_space<vmem>>) attributes {dimension_semantics = [#tpu.dimension_semantics<core_parallel>, #tpu.dimension_semantics<subcore_parallel>], iteration_bounds = array<i64: 2, 16>, scalar_prefetch = 0 : i64, scratch_operands = 4 : i64, tpu.core_type = #tpu.core_type<sc_vector_subcore>, window_params = [{transform_indices = #map}, {transform_indices = #map}, {transform_indices = #map}, {transform_indices = #map}]} {
    %mul3A = arith.constant 2 : i32
    %mul3A_0 = arith.muli %arg1, %mul3A : i32
    %add3A = arith.addi %mul3A_0, %arg0 : i32
    %mul3A_1 = arith.constant 512 : i32
    %mul3A_2 = arith.muli %add3A, %mul3A_1 : i32
    "tpu.region"() ({
      %run_scoped3A = tpu.sem_alloc : memref<!tpu.dma_semaphore, #tpu.memory_space<semaphore_mem>>
      tpu.enqueue_dma source(%arg4 : memref<16xf32, #tpu.memory_space<hbm>>) target(%arg9 : memref<16xf32, #tpu.memory_space<vmem>>) target_semaphore(%run_scoped3A : memref<!tpu.dma_semaphore, #tpu.memory_space<semaphore_mem>>)
      tpu.wait_dma2 semaphore(%run_scoped3A : memref<!tpu.dma_semaphore, #tpu.memory_space<semaphore_mem>>) src(%arg4 : memref<16xf32, #tpu.memory_space<hbm>>) dst(%arg9 : memref<16xf32, #tpu.memory_space<vmem>>)
      tpu.yield
    }) : () -> ()
    "tpu.region"() ({
      %run_scoped3A = tpu.sem_alloc : memref<!tpu.dma_semaphore, #tpu.memory_space<semaphore_mem>>
      %dma_start3A = tpu.memref_slice %arg2[%mul3A_2] : memref<16384xi32, #tpu.memory_space<hbm>> -> memref<512xi32, #tpu.memory_space<hbm>>
      %dma_start3A_17 = tpu.memref_slice %arg2[%mul3A_2] : memref<16384xi32, #tpu.memory_space<hbm>> -> memref<512xi32, #tpu.memory_space<hbm>>
      tpu.enqueue_dma source(%dma_start3A_17 : memref<512xi32, #tpu.memory_space<hbm>>) target(%arg6 : memref<512xi32, #tpu.memory_space<vmem>>) target_semaphore(%run_scoped3A : memref<!tpu.dma_semaphore, #tpu.memory_space<semaphore_mem>>)
      %dma_wait3A = tpu.memref_slice %arg2[%mul3A_2] : memref<16384xi32, #tpu.memory_space<hbm>> -> memref<512xi32, #tpu.memory_space<hbm>>
      %dma_wait3A_18 = tpu.memref_slice %arg2[%mul3A_2] : memref<16384xi32, #tpu.memory_space<hbm>> -> memref<512xi32, #tpu.memory_space<hbm>>
      tpu.wait_dma2 semaphore(%run_scoped3A : memref<!tpu.dma_semaphore, #tpu.memory_space<semaphore_mem>>) src(%dma_wait3A_18 : memref<512xi32, #tpu.memory_space<hbm>>) dst(%arg6 : memref<512xi32, #tpu.memory_space<vmem>>)
      tpu.yield
    }) : () -> ()
    "tpu.region"() ({
      %run_scoped3A = tpu.sem_alloc : memref<!tpu.dma_semaphore, #tpu.memory_space<semaphore_mem>>
      %dma_start3A = tpu.memref_slice %arg3[%mul3A_2] : memref<16384xi32, #tpu.memory_space<hbm>> -> memref<512xi32, #tpu.memory_space<hbm>>
      %dma_start3A_17 = tpu.memref_slice %arg3[%mul3A_2] : memref<16384xi32, #tpu.memory_space<hbm>> -> memref<512xi32, #tpu.memory_space<hbm>>
      tpu.enqueue_dma source(%dma_start3A_17 : memref<512xi32, #tpu.memory_space<hbm>>) target(%arg7 : memref<512xi32, #tpu.memory_space<vmem>>) target_semaphore(%run_scoped3A : memref<!tpu.dma_semaphore, #tpu.memory_space<semaphore_mem>>)
      %dma_wait3A = tpu.memref_slice %arg3[%mul3A_2] : memref<16384xi32, #tpu.memory_space<hbm>> -> memref<512xi32, #tpu.memory_space<hbm>>
      %dma_wait3A_18 = tpu.memref_slice %arg3[%mul3A_2] : memref<16384xi32, #tpu.memory_space<hbm>> -> memref<512xi32, #tpu.memory_space<hbm>>
      tpu.wait_dma2 semaphore(%run_scoped3A : memref<!tpu.dma_semaphore, #tpu.memory_space<semaphore_mem>>) src(%dma_wait3A_18 : memref<512xi32, #tpu.memory_space<hbm>>) dst(%arg7 : memref<512xi32, #tpu.memory_space<vmem>>)
      tpu.yield
    }) : () -> ()
    %get3A = arith.constant 0 : index
    %get3A_3 = tpu.vector_load %arg9[%get3A] {strides = array<i32>} : memref<16xf32, #tpu.memory_space<vmem>>, vector<16xf32>,
    %get3A_4 = vector.shape_cast %get3A_3 : vector<16xf32> to vector<16xf32>
    %neg3A = arith.constant 0.000000e+00 : f32
    %neg3A_5 = vector.broadcast %neg3A : f32 to vector<16xf32>
    %neg3A_6 = arith.subf %neg3A_5, %get3A_4 : vector<16xf32>
    %exp3A = math.exp %neg3A_6 : vector<16xf32>
    %add3A_7 = arith.constant 1.000000e+00 : f32
    %add3A_8 = vector.broadcast %add3A_7 : f32 to vector<16xf32>
    %add3A_9 = arith.addf %add3A_8, %exp3A : vector<16xf32>
    %div3A = arith.constant 1.000000e+00 : f32
    %div3A_10 = vector.broadcast %div3A : f32 to vector<16xf32>
    %div3A_11 = arith.divf %div3A_10, %add3A_9 : vector<16xf32>
    %scan3A = arith.constant 0 : i32
    %scan3A_12 = arith.constant 0 : i32
    %scan3A_13 = arith.constant 32 : i32
    %scan3A_14 = arith.addi %scan3A_12, %scan3A_13 : i32
    %scan3A_15 = arith.constant 1 : i32
    scf.for %scan3A_17 = %scan3A_12 to %scan3A_14 step %scan3A_15  : i32 {
      %mul3A_18 = arith.constant 16 : i32
      %mul3A_19 = arith.muli %scan3A_17, %mul3A_18 : i32
      %get3A_20 = arith.index_cast %mul3A_19 : i32 to index
      %get3A_21 = tpu.vector_load %arg6[%get3A_20] {strides = array<i32>} : memref<512xi32, #tpu.memory_space<vmem>>, vector<16xi32>,
      %get3A_22 = vector.shape_cast %get3A_21 : vector<16xi32> to vector<16xi32>
      %get3A_23 = arith.index_cast %mul3A_19 : i32 to index
      %get3A_24 = tpu.vector_load %arg7[%get3A_23] {strides = array<i32>} : memref<512xi32, #tpu.memory_space<vmem>>, vector<16xi32>,
      %get3A_25 = vector.shape_cast %get3A_24 : vector<16xi32> to vector<16xi32>
      %mul3A_26 = arith.constant 2 : i32
      %mul3A_27 = vector.broadcast %mul3A_26 : i32 to vector<16xi32>
      %mul3A_28 = arith.muli %get3A_22, %mul3A_27 : vector<16xi32>
      %add3A_29 = arith.addi %mul3A_28, %get3A_25 : vector<16xi32>
      %jit3A = arith.constant 0 : i32
      %jit3A_30 = arith.constant 3 : i32
      %max3A = vector.broadcast %jit3A : i32 to vector<16xi32>
      %max3A_31 = arith.maxsi %max3A, %add3A_29 : vector<16xi32>
      %min3A = vector.broadcast %jit3A_30 : i32 to vector<16xi32>
      %min3A_32 = arith.minsi %min3A, %max3A_31 : vector<16xi32>
      %lt3A = arith.constant 0 : i32
      %lt3A_33 = vector.broadcast %lt3A : i32 to vector<16xi32>
      %lt3A_34 = arith.cmpi slt, %min3A_32, %lt3A_33 : vector<16xi32>
      %add3A_35 = arith.constant 16 : i32
      %add3A_36 = vector.broadcast %add3A_35 : i32 to vector<16xi32>
      %add3A_37 = arith.addi %min3A_32, %add3A_36 : vector<16xi32>
      %select_n3A = arith.select %lt3A_34, %add3A_37, %min3A_32 : vector<16xi1>, vector<16xi32>
      %broadcast_in_dim3A = vector.shape_cast %select_n3A : vector<16xi32> to vector<16x1xi32>
      %gather3A = vector.shape_cast %broadcast_in_dim3A : vector<16x1xi32> to vector<16xi32>
      %gather3A_38 = tpu.dynamic_gather %div3A_11[%gather3A] in [0] : vector<16xf32>, vector<16xi32> -> vector<16xf32>
      %swap3A = arith.index_cast %mul3A_19 : i32 to index
      %swap3A_39 = tpu.vector_load %arg8[%swap3A] {strides = array<i32>} : memref<512xf32, #tpu.memory_space<vmem>>, vector<16xf32>,
      %swap3A_40 = vector.shape_cast %swap3A_39 : vector<16xf32> to vector<16xf32>
      %swap3A_41 = vector.shape_cast %gather3A_38 : vector<16xf32> to vector<16xf32>
      tpu.vector_store %arg8[%swap3A], %swap3A_41 {strides = array<i32>} : memref<512xf32, #tpu.memory_space<vmem>>, vector<16xf32>,
    }
    %scan3A_16 = arith.constant 32 : i32
    "tpu.region"() ({
      %run_scoped3A = tpu.sem_alloc : memref<!tpu.dma_semaphore, #tpu.memory_space<semaphore_mem>>
      %dma_start3A = tpu.memref_slice %arg5[%mul3A_2] : memref<16384xf32, #tpu.memory_space<hbm>> -> memref<512xf32, #tpu.memory_space<hbm>>
      %dma_start3A_17 = tpu.memref_slice %arg5[%mul3A_2] : memref<16384xf32, #tpu.memory_space<hbm>> -> memref<512xf32, #tpu.memory_space<hbm>>
      tpu.enqueue_dma source(%arg8 : memref<512xf32, #tpu.memory_space<vmem>>) target(%dma_start3A_17 : memref<512xf32, #tpu.memory_space<hbm>>) target_semaphore(%run_scoped3A : memref<!tpu.dma_semaphore, #tpu.memory_space<semaphore_mem>>)
      %dma_wait3A = tpu.memref_slice %arg5[%mul3A_2] : memref<16384xf32, #tpu.memory_space<hbm>> -> memref<512xf32, #tpu.memory_space<hbm>>
      %dma_wait3A_18 = tpu.memref_slice %arg5[%mul3A_2] : memref<16384xf32, #tpu.memory_space<hbm>> -> memref<512xf32, #tpu.memory_space<hbm>>
      tpu.wait_dma2 semaphore(%run_scoped3A : memref<!tpu.dma_semaphore, #tpu.memory_space<semaphore_mem>>) src(%arg8 : memref<512xf32, #tpu.memory_space<vmem>>) dst(%dma_wait3A_18 : memref<512xf32, #tpu.memory_space<hbm>>)
      tpu.yield
    }) : () -> ()
    return
  }
}

</mosaic_0001>

<sc_bundles>
// kernel: kernel.3.cloned.1.call-start
scs
__scs_entry_jumppad:
0x0: {  	(pc) =	sbr.rel $0x88, $3  }
0x1: {  	(tag) =	ssettag $0x0;
	lr =	simm.s32 $0x1  }
0x2: {  	[smem:$0x3F9E] =	sst lr;
	_ =	strace $0xD0000000  }
0x3: {  	_ = 	snop  }
0x4: {  	_ = 	snop  }
0x5: {  	_ = 	snop  }
0x6: {  	_ = 	snop  }
0x7: {  	_ = 	snop  }
__scs_overlays_trampoline_lowered:
0x8: {  	[smem:$0x3FAD] =	sst s0  }
0x9: {  	[smem:$0x3FAE] =	sst s1  }
0xa: {  	[smem:$0x3FAF] =	sst s2  }
0xb: {  	[smem:$0x3FB0] =	sst s3  }
0xc: {  	[smem:$0x3FB1] =	sst s4  }
0xd: {  	[smem:$0x3FB2] =	sst s5  }
0xe: {  	[smem:$0x3FB3] =	sst s6  }
0xf: {  	[smem:$0x3FB4] =	sst s7  }
0x10: {  	[smem:$0x3FB5] =	sst s8  }
0x11: {  	[smem:$0x3FB6] =	sst s9;
	s0 =	simm.s32 @!p0 $0x0  }
0x12: {  	s1 =	sld [smem:$0x3F9C];
	s0 =	simm.s32 @p0 $0x1  }
0x13: {  	[smem:$0x3FB7] =	sst s0;
	s0 =	simm.s32 @!p1 $0x0  }
0x14: {  	s2 =	sld [smem:$0x3F9B];
	s0 =	simm.s32 @p1 $0x1  }
0x15: {  	[smem:$0x3FB8] =	sst s0;
	s0 =	simm.s32 @!p2 $0x0  }
0x16: {  	s3 =	sld [smem:$0x3FDB];
	s0 =	simm.s32 @p2 $0x1  }
0x17: {  	s4 =	simm.s32 $0x1BF5;
	[smem:$0x3FBA] =	sst s0  }
0x18: {  	s0 =	sld [smem:$0x3F9D];
	_ =	swait.ge [sflag:s4], $0x0  }
0x19: {  	s7 =	sld [smem:$0x3F9E]  }
0x1a: {  	s8 =	sadd.s32 $0xFFFFE003, lr  }
0x1b: {  	s9 =	sadd.s32 $0xFFFFFEF7, lr;
	s5 =	simm.s32 $0xFFFFFFFF;
	p2 =	slt.u32 s8, $0xFFFFF086  }
0x1c: {  	p1 =	slt.u32 s9, $0xF7A;
	s5 =	simm.s32 @!p2 $0x0  }
0x1d: {  	s5 =	simm.s32 @p1 $0x1;
	p0 =	seq.s32 s7, s2  }
0x1e: {  	s7 =	smul.u32 @!p0 $0xF7A, s2;
	p2 =	seq.s32 @!p0 s5, $0x0  }
0x1f: {  	s9 =	smul.u32 $0xF7A, s1;
	s8 =	simm.s32 @!p0 $0x1BF5;
	p2 =	por !p2, p0  }
0x20: {  	[sflag:s8] =	ssyncset.s32 @!p0 $0xFFFFF086;
	s6 =	sadd.s32 @!p0 s3, s7;
	s7 =	simm.s32 @!p0 $0x108  }
0x21: {  	s3 =	sadd.s32 s3, s9;
	s6 =	sadd.s32 @!p0 $0x88, s6;
	s7 =	simm.s32 @p2 $0x1082  }
0x22: {  	[simem:s7], [sflag:s8] =	dma.local @!p0 [hbm:s6], $0xF7A  }
0x23: {  	s9 =	sor.u32 $0xD0000000, s2;
	s6 =	simm.s32 $0x108;
	_ =	swait.ge @!p0 [sflag:s8], $0x0  }
0x24: {  	s3 =	sadd.s32 $0x88, s3;
	s6 =	simm.s32 @!p1 $0x1082;
	[sflag:s4] =	ssyncset.s32 $0xFFFFF086  }
0x25: {  	[simem:s6], [sflag:s4] =	dma.local [hbm:s3], $0xF7A  }
0x26: {  	[smem:$0x3F9E] =	sst s1;
	(tag) =	ssettag s2;
	_ =	strace s9  }
0x27: {  	s1 =	sld [smem:$0x3FAE]  }
0x28: {  	s2 =	sld [smem:$0x3FAF]  }
0x29: {  	s4 =	sld [smem:$0x3FB1]  }
0x2a: {  	p0 =	seq.s32 s5, $0x0;
	s5 =	sld [smem:$0x3FB2]  }
0x2b: {  	s6 =	sld [smem:$0x3FB3]  }
0x2c: {  	s7 =	sld [smem:$0x3FB4]  }
0x2d: {  	s3 =	simm.s32 $0x108;
	s8 =	sld [smem:$0x3FB5]  }
0x2e: {  	s3 =	simm.s32 @!p0 $0x1082;
	s9 =	sld [smem:$0x3FB6]  }
0x2f: {  	lr =	sadd.s32 s0, s3;
	s0 =	sld [smem:$0x3FAD]  }
0x30: {  	s3 =	sld [smem:$0x3FB0]  }
0x31: {  	[smem:$0x3FB9] =	sst s10  }
0x32: {  	s10 =	sld [smem:$0x3FB7];
	_ =	sdelay $0x3  }
0x33: {  	p0 =	seq.s32 s10, $0x1;
	s10 =	sld [smem:$0x3FB9];
	_ =	sdelay $0x3  }
0x34: {  	[smem:$0x3FB9] =	sst s10  }
0x35: {  	s10 =	sld [smem:$0x3FB8];
	_ =	sdelay $0x3  }
0x36: {  	p1 =	seq.s32 s10, $0x1;
	s10 =	sld [smem:$0x3FB9];
	_ =	sdelay $0x3  }
0x37: {  	[smem:$0x3FB9] =	sst s10  }
0x38: {  	s10 =	sld [smem:$0x3FBA]  }
0x39: {  	_ = 	snop;
	(pc) =	sbr.ind lr, $3  }
0x3a: {  	_ = 	snop  }
0x3b: {  	_ = 	snop  }
0x3c: {  	p2 =	seq.s32 s10, $0x1;
	s10 =	sld [smem:$0x3FB9]  }
0x3d: {  	_ =	shalt  }
0x3e: {  	_ =	shalt  }
0x3f: {  	_ =	shalt  }
0x40: {  	_ =	shalt  }
0x41: {  	_ =	shalt  }
0x42: {  	_ =	shalt  }
0x43: {  	_ =	shalt  }
0x44: {  	_ =	shalt  }
0x45: {  	_ =	shalt  }
0x46: {  	_ =	shalt  }
0x47: {  	_ =	shalt  }
0x48: {  	_ =	shalt  }
0x49: {  	_ =	shalt  }
0x4a: {  	_ =	shalt  }
0x4b: {  	_ =	shalt  }
0x4c: {  	_ =	shalt  }
0x4d: {  	_ =	shalt  }
0x4e: {  	_ =	shalt  }
0x4f: {  	_ =	shalt  }
0x50: {  	_ =	shalt  }
0x51: {  	_ =	shalt  }
0x52: {  	_ =	shalt  }
0x53: {  	_ =	shalt  }
0x54: {  	_ =	shalt  }
0x55: {  	_ =	shalt  }
0x56: {  	_ =	shalt  }
0x57: {  	_ =	shalt  }
0x58: {  	_ =	shalt  }
0x59: {  	_ =	shalt  }
0x5a: {  	_ =	shalt  }
0x5b: {  	_ =	shalt  }
0x5c: {  	_ =	shalt  }
0x5d: {  	_ =	shalt  }
0x5e: {  	_ =	shalt  }
0x5f: {  	_ =	shalt  }
0x60: {  	_ =	shalt  }
0x61: {  	_ =	shalt  }
0x62: {  	_ =	shalt  }
0x63: {  	_ =	shalt  }
0x64: {  	_ =	shalt  }
0x65: {  	_ =	shalt  }
0x66: {  	_ =	shalt  }
0x67: {  	_ =	shalt  }
0x68: {  	_ =	shalt  }
0x69: {  	_ =	shalt  }
0x6a: {  	_ =	shalt  }
0x6b: {  	_ =	shalt  }
0x6c: {  	_ =	shalt  }
0x6d: {  	_ =	shalt  }
0x6e: {  	_ =	shalt  }
0x6f: {  	_ =	shalt  }
0x70: {  	_ =	shalt  }
0x71: {  	_ =	shalt  }
0x72: {  	_ =	shalt  }
0x73: {  	_ =	shalt  }
0x74: {  	_ =	shalt  }
0x75: {  	_ =	shalt  }
0x76: {  	_ =	shalt  }
0x77: {  	_ =	shalt  }
0x78: {  	_ =	shalt  }
0x79: {  	_ =	shalt  }
0x7a: {  	_ =	shalt  }
0x7b: {  	_ =	shalt  }
0x7c: {  	_ =	shalt  }
0x7d: {  	_ =	shalt  }
0x7e: {  	_ =	shalt  }
0x7f: {  	_ =	shalt  }
0x80: {  	_ =	shalt  }
0x81: {  	_ =	shalt  }
0x82: {  	_ =	shalt  }
0x83: {  	_ =	shalt  }
0x84: {  	_ =	shalt  }
0x85: {  	_ =	shalt  }
0x86: {  	_ =	shalt  }
0x87: {  	_ =	shalt  }
.Lfunc_end0:
.L_simem_size_0:
called_computation_lowered:
.L_overlay_start_0:
0x88: {  	s2 =	sld [smem:$0x3FD9]  }
0x89: {  	s3 =	sld [smem:$0x3FFE];
	_ =	sdelay $0x1  }
0x8a: {  	s1 =	srdreg.scid  }
0x8b: {  	s0 =	sand.u32 $0x1, s1  }
0x8c: {  	s17 =	sshll.u32 s0, $0xA;
	s2 =	sadd.s32 s3, s2  }
0x8d: {  	s2 =	sadd.s32 s2, s17  }
0x8e: {  	[smem:$0x3FC5] =	sst s2  }
0x8f: {  	_ = 	snop  }
0x90: {  	s2 =	sld [smem:$0x3FC9]  }
0x91: {  	s18 =	sld [smem:$0x3FC8]  }
0x92: {  	s4 =	sld [smem:$0x3FD0];
	(tm) =	ssettm $0x1  }
0x93: {  	s5 =	sld [smem:$0x3FFB];
	_ =	sdelay $0x3  }
0x94: {  	_ =	strace s5  }
0x95: {  	s5 =	sld [smem:$0x3FFC];
	_ =	sdelay $0x3  }
0x96: {  	_ =	strace s5  }
0x97: {  	s5 =	sld [smem:$0x3FFD];
	_ =	sdelay $0x3  }
0x98: {  	_ =	strace s5  }
0x99: {  	_ =	strace $0x8FFFFFFF  }
0x9a: {  	s19 =	sld [smem:$0x3FDB];
	_ =	sdelay $0x1  }
0x9b: {  	s6 =	simm.s32 $_scs_section_size  }
0x9c: {  	s7 =	simm.s32 $_size__tile_overlayer_lowered;
	s8 =	simm.s32 $_tile_overlayer_lowered  }
0x9d: {  	s22 =	simm.s32 $0x1BFF;
	s21 =	sshll.u32 s8, $0x1;
	s5 =	sadd.s32 s6, s19  }
0x9e: {  	s9 =	simm.s32 $0x0;
	s20 =	sshll.u32 s7, $0x1;
	s7 =	sadd.s32 s21, s5  }
0x9f: {  	[timem:s9], [sflag:s22] =	dma.local [hbm:s7], s20  }
0xa0: {  	_ =	swait.ge [sflag:s22], s20  }
0xa1: {  	s6 =	ssub.s32 $0x0, s20;
	[sflag:s22] =	ssyncset.done $0x0  }
0xa2: {  	[sflag:s22] =	ssyncadd.s32 s6;
	_ =	sdelay $0x1  }
0xa3: {  	s23 =	simm.s32 $0x1B8B  }
0xa4: {  	_ =	swait.ge [sflag:s23], $0x1  }
0xa5: {  	[sflag:s23] =	ssyncset.done $0x0  }
0xa6: {  	s25 =	simm.s32 $0x1B8E;
	s24 =	sld [smem:$0x3FFE];
	[sflag:s23] =	ssyncadd.s32 $0xFFFFFFFF  }
0xa7: {  	s26 =	simm.s32 $execute0_lowered;
	[smem:$0x3FD2] =	sst s25  }
0xa8: {  	s7 =	sshll.u32 s26, $0x1;
	_ =	strace $0x80000046;
	[dreg:$0x1] =	wrdreg $0xFFFFFFFF  }
0xa9: {  	s28 =	simm.s32 $_size_execute0_lowered;
	s5 =	sadd.s32 s5, s7;
	[dreg:$0x0] =	wrdreg $0x0  }
0xaa: {  	s7 =	sshll.u32 s28, $0x1;
	[dreg:$0x2] =	wrdreg s5  }
0xab: {  	[dreg:$0x3] =	wrdreg s7  }
0xac: {  	[dreg:$0x4] =	wrdreg $0xC0  }
0xad: {  	_ =	task [dreg:s9], $0x5FFFF  }
0xae: {  	[dreg:$0x1] =	wrdreg $0xFFFFFFFF  }
0xaf: {  	[dreg:$0x0] =	wrdreg $0x60  }
0xb0: {  	[dreg:$0x2] =	wrdreg s2  }
0xb1: {  	[dreg:$0x3] =	wrdreg s18  }
0xb2: {  	[dreg:$0x4] =	wrdreg s24  }
0xb3: {  	[dreg:$0x5] =	wrdreg s4  }
0xb4: {  	[dreg:$0x6] =	wrdreg $0x9  }
0xb5: {  	_ =	task.clear_ibuf [dreg:s9], $0x7FFFF;
	_ =	strace $0x90000046  }
0xb6: {  	s29 =	simm.s32 $0x9;
	_ =	strace $0x80000048  }
0xb7: {  	_ =	swait.ge [sflag:s29], $0x1  }
0xb8: {  	[sflag:s29] =	ssyncadd.s32 $0xFFFFFFFF  }
0xb9: {  	_ =	strace $0x90000048  }
0xba: {  	_ =	sfence  }
0xbb: {  	s30 =	sld [smem:$0x0];
	_ =	sdelay $0x2  }
0xbc: {  	s31 =	sshll.u32 s1, $0xD;
	s1 =	sshrl.u32 s1, $0x2  }
0xbd: {  	s3 =	sand.u32 $0x4000, s31;
	s1 =	sadd.s32 s1, s30  }
0xbe: {  	s0 =	sor.u32 s3, s0;
	s1 =	sshll.u32 s1, $0x11  }
0xbf: {  	s0 =	sor.u32 s1, s0  }
0xc0: {  	s0 =	sadd.s32 $0x8F2B, s0  }
0xc1: {  	[sflag:s0] =	ssyncadd.remote.s32 $0x1  }
0xc2: {  	_ =	sfence.sel $0xFFFF  }
0xc3: {  	[dreg:$0x0] =	wrdreg $0xFFFFFFFF;
	(pc) =	sbr.abs _section_cstart, $3  }
0xc4: {  	[dreg:$0x1] =	wrdreg $0xFFFFFFFF  }
0xc5: {  	_ =	task.clear_ibuf [dreg:s9], $0x2FFFF;
	_ =	strace $0x9FFFFFFF  }
0xc6: {  	(tm) =	ssettm $0x7FFFFFFF  }
0xc7: {  	_ =	shalt  }
tec
execute0_lowered:
.L_overlay_start_1:
0x0: {  	(tag) =	ssettag $0x1  }
0x1: {  	s4 =	rddreg [dreg:$0x0]  }
0x2: {  	s5 =	rddreg [dreg:$0x1]  }
0x3: {  	s3 =	rddreg [dreg:$0x2]  }
0x4: {  	s6 =	rddreg [dreg:$0x3]  }
0x5: {  	s0 =	rddreg [dreg:$0x4];
	s1 =	simm.s32 $0x0  }
0x6: {  	s2 =	srdreg.scid;
	s11 =	simm.s32 $0x400;
	s12 =	simm.s32 $0x0  }
0x7: {  	[smem:$0x7FF] =	sst s1;
	s7 =	sand.u32 $0x1, s2;
	s2 =	stileid.u32  }
0x8: {  	s3 =	sadd.s32 $0x600, s3;
	_ =	strace $0x80000047;
	s8 =	ssub.s32 $0x2, s7  }
0x9: {  	s10 =	sshll.u32 s2, $0x7;
	s7 =	sshll.u32 s7, $0x6;
	s9 =	sshrl.u32 s8, $0x1  }
0xa: {  	s7 =	sor.u32 s7, s10;
	s10 =	simm.s32 $0x200;
	s8 =	ssub.s32 s8, s9  }
0xb: {  	s4 =	sadd.s32 s4, s7;
	s5 =	sadd.s32 s5, s7;
	s6 =	sadd.s32 s6, s7  }
0xc: {  	s9 =	simm.s32 $0x1;
	s7 =	smax.u32 s8, $0x1;
	s8 =	simm.s32 $0x600  }
.LBB2_1:
0xd: {  	[tilespmem:s8], [sflag:$0x1] =	stream.linear.gather [hbm4b:s3+s1], $0x80, $0x38;
	[tilespmem:$0x680] =	vst v63  }
0xe: {  	_ =	swait.ge [sflag:s9], $0x80  }
0xf: {  	[sflag:s9] =	ssyncset.done $0x0  }
0x10: {  	[sflag:s9] =	ssyncadd.s32 $0xFFFFFF80  }
0x11: {  	[tilespmem:s1], [sflag:$0x1] =	stream.linear.gather [hbm4b:s4+s1], $0x200, $0x38;
	[tilespmem:$0x680] =	vst v63  }
0x12: {  	_ =	swait.ge [sflag:s9], $0x200  }
0x13: {  	[sflag:s9] =	ssyncset.done $0x0  }
0x14: {  	[sflag:s9] =	ssyncadd.s32 $0xFFFFFE00  }
0x15: {  	[tilespmem:s10], [sflag:$0x1] =	stream.linear.gather [hbm4b:s5+s1], $0x200, $0x38;
	[tilespmem:$0x680] =	vst v63  }
0x16: {  	_ =	swait.ge [sflag:s9], $0x200  }
0x17: {  	[sflag:s9] =	ssyncset.done $0x0  }
0x18: {  	[sflag:s9] =	ssyncadd.s32 $0xFFFFFE00  }
0x19: {  	v0 =	vld [tilespmem:$0x600];
	_ =	sdelay $0x4  }
0x1a: {  	v0 =	vsub.f32 $0.0e+00, v0;
	_ =	sdelay $0x1  }
0x1b: {  	v0 =	vmul.f32 $1.442695020e+00, v0;
	_ =	sdelay $0x1  }
0x1c: {  	(erf) = vpow2.f32 v0;
	_ =	sdelay $0x8  }
0x1d: {  	v0 =	vpop (erf)  }
0x1e: {  	v0 =	vadd.f32 $1.000000000e+00, v0  }
0x1f: {  	s13 =	simm.s32 $0x0  }
0x20: {  	(erf) = vrcp.f32 v0;
	v0 =	vld [tilespmem:s13+$0x0]  }
0x21: {  	v1 =	vld [tilespmem:s13+$0x200];
	_ =	sdelay $0x3  }
0x22: {  	v0 =	vshll.u32 v0, $0x1  }
0x23: {  	v0 =	vadd.s32 v1, v0  }
0x24: {  	s14 =	simm.s32 $0x10;
	vm0 =	vgt.s32 v0, $0x0  }
0x25: {  	v1 =	vld [tilespmem:s14+$0x0];
	v2 =	vnsel vm0, $0x0, v0  }
0x26: {  	v3 =	vmin.u32 v2, $0x3;
	v2 =	vld [tilespmem:s14+$0x200];
	_ =	sdelay $0x1  }
0x27: {  	v0 =	vpop (erf)  }
0x28: {  	s15 =	simm.s32 $0x80;
	v3 =	vperm.xlane v0, v3  }
.LBB2_2:
0x29: {  	s16 =	sshra.s32 s15, $0x2;
	p0 =	sne.s32 s15, $0x7C0;
	s15 =	sadd.s32 $0x40, s15;
	v4 =	vshll.u32 v1, $0x1  }
.Ltmp0:
0x2a: {  	v1 =	vld [tilespmem:s16+$0x0];
	v4 =	vadd.s32 v2, v4;
	[tilespmem:s13+$0x400] =	vst v3;
	s13 =	smov.u32 s14;
	s14 =	smov.u32 s16;
	(pc) =	sbr.rel @p0 .LBB2_2-.Ltmp0, $4  }
0x2b: {  	v2 =	vld [tilespmem:s14+$0x200];
	vm0 =	vgt.s32 v4, $0x0  }
0x2c: {  	v3 =	vnsel vm0, $0x0, v4  }
0x2d: {  	v3 =	vmin.u32 v3, $0x3  }
0x2e: {  	v3 =	vperm.xlane v0, v3  }
0x2f: {  	v1 =	vshll.u32 v1, $0x1  }
0x30: {  	v1 =	vadd.s32 v2, v1  }
0x31: {  	vm0 =	vgt.s32 v1, $0x0  }
0x32: {  	v1 =	vnsel vm0, $0x0, v1  }
0x33: {  	v1 =	vmin.u32 v1, $0x3  }
0x34: {  	s12 =	sadd.s32 $0x1, s12;
	v0 =	vperm.xlane v0, v1  }
0x35: {  	[tilespmem:s13+$0x400] =	vst v3;
	p0 =	sne.s32 s12, s7  }
.Ltmp1:
0x36: {  	[tilespmem:s14+$0x400] =	vst v0;
	(pc) =	sbr.rel @p0 .LBB2_1-.Ltmp1, $4  }
0x37: {  	[hbm4b:s6+s1] =	stream.linear.scatter [tilespmem:s11], [sflag:$0x1], $0x200, $0x38;
	[tilespmem:$0x680] =	vst v63  }
0x38: {  	_ =	swait.ge [sflag:s9], $0x200  }
0x39: {  	[sflag:s9] =	ssyncset.done $0x0  }
0x3a: {  	[sflag:s9] =	ssyncadd.s32 $0xFFFFFE00  }
0x3b: {  	_ =	sfence.sel $0x180000  }
0x3c: {  	[bflag:$0x0] =	sbarrier.arrive $0xFFFF  }
0x3d: {  	p0 =	sne.s32 s2, $0x0;
	_ =	strace $0x90000047  }
0x3e: {  	s0 =	sadd.s32 @!p0 $0x100000, s0;
	[bflag:$0x2] =	sbarrier.arrive $0xFFFF  }
0x3f: {  	[sflag:s0] =	ssyncadd.tile.s32 @!p0 $0x1;
	_ =	shalt  }
.Lfunc_end2:
_tile_overlayer_lowered:
.L_overlay_start_2:
0x40: {  	(tag) =	ssettag $0x2  }
0x41: {  	s0 =	rddreg [dreg:$0x0];
	s2 =	stileid.u32  }
0x42: {  	s1 =	rddreg [dreg:$0x1];
	p0 =	sne.s32 s2, $0x0  }
0x43: {  	s3 =	rddreg [dreg:$0x2];
	[bflag:$0x3] =	sbarrier.arrive $0xFFFF;
	s2 =	simm.s32 @!p0 $0x1C01  }
0x44: {  	[timem:s3], [sflag:s2] =	dma.local @!p0 [hbm:s0], s1  }
0x45: {  	s0 =	simm.s32 @!p0 $0x1  }
0x46: {  	_ =	swait.ge @!p0 [sflag:s0], s1  }
0x47: {  	s1 =	ssub.s32 @!p0 $0x0, s1;
	[sflag:s0] =	ssyncset.done @!p0 $0x0  }
0x48: {  	[sflag:s0] =	ssyncadd.s32 @!p0 s1  }
0x49: {  	[bflag:$0x3] =	sbarrier.arrive $0xFFFF  }
0x4a: {  	_ =	shalt  }

</sc_bundles>
